<compile_context>
chip_gen: v7x
topology: tpu7x:2x2x1
jax: 0.10.2.dev20260603
libtpu: 0.0.44.dev20260713+nightly
codegen_flags: <defaults>
</compile_context>

<pallas_src>
import functools

import jax
import jax.numpy as jnp
from jax import lax
from jax.experimental import pallas as pl
from jax.experimental.pallas import tpu as pltpu
from jax.experimental.pallas import tpu_sc as plsc

_TIMESTEPS = 1000
_ZERO_WEIGHTING = 1.0
_NONZERO_WEIGHTING = 1.0

_B, _C, _H, _W = 4, 1, 96, 96
_N = _B * _C * _H * _W
_N_NONZERO = float(_N)
_N_ZERO = float(_N * _TIMESTEPS - _N)
_SCALE = _ZERO_WEIGHTING / _N_ZERO + _NONZERO_WEIGHTING / _N_NONZERO

_NUM_CORES = 1
_NUM_TILES = 16
_NUM_WORKERS = _NUM_CORES * _NUM_TILES
_CHUNK = _N // _NUM_WORKERS
_LANES = 16
_STEPS = _CHUNK // _LANES
_UNROLL = 4


def _bin_index(x):
    y = x * jnp.float32(_TIMESTEPS) - jnp.float32(1.0)
    return jnp.maximum(y, jnp.float32(0.0)).astype(jnp.int32)


def _sc_count_kernel(r_hbm, t_hbm, rows_hbm, r_buf, t_buf, acc_buf,
                     sem1, sem2):
    wid = lax.axis_index("s") * _NUM_CORES + lax.axis_index("c")
    base = wid * _CHUNK
    h1 = _CHUNK // 4
    h2 = _CHUNK - h1

    c1r = pltpu.async_copy(r_hbm.at[pl.ds(base, h1)],
                           r_buf.at[pl.ds(0, h1)], sem1)
    c1t = pltpu.async_copy(t_hbm.at[pl.ds(base, h1)],
                           t_buf.at[pl.ds(0, h1)], sem1)
    c2r = pltpu.async_copy(r_hbm.at[pl.ds(base + h1, h2)],
                           r_buf.at[pl.ds(h1, h2)], sem2)
    c2t = pltpu.async_copy(t_hbm.at[pl.ds(base + h1, h2)],
                           t_buf.at[pl.ds(h1, h2)], sem2)

    def count(start, nsteps, acc):
        def body(i, acc):
            for u in range(_UNROLL):
                off = start + (i * _UNROLL + u) * _LANES
                r = r_buf[pl.ds(off, _LANES)]
                t = t_buf[pl.ds(off, _LANES)]
                ne = _bin_index(r) != _bin_index(t)
                acc = acc + jnp.where(ne, jnp.int32(1), jnp.int32(0))
            return acc
        return lax.fori_loop(0, nsteps // _UNROLL, body, acc)

    c1r.wait()
    c1t.wait()
    acc = count(0, h1 // _LANES, jnp.zeros((_LANES,), jnp.int32))
    c2r.wait()
    c2t.wait()
    acc = count(h1, h2 // _LANES, acc)
    acc_buf[0, :] = acc
    pltpu.sync_copy(acc_buf, rows_hbm.at[pl.ds(wid, 1)])


def _tc_finish_kernel(rows_ref, out_ref):
    total = jnp.sum(rows_ref[...].astype(jnp.float32))
    out_ref[0, 0] = total * jnp.float32(_SCALE)


@jax.jit
def _loss(r_flat, t_flat):
    mesh = plsc.VectorSubcoreMesh(
        core_axis_name="c", subcore_axis_name="s", num_cores=_NUM_CORES
    )
    count = functools.partial(
        pl.kernel,
        mesh=mesh,
        out_type=jax.ShapeDtypeStruct((_NUM_WORKERS, _LANES), jnp.int32),
        scratch_types=[
            pltpu.VMEM((_CHUNK,), jnp.float32),
            pltpu.VMEM((_CHUNK,), jnp.float32),
            pltpu.VMEM((1, _LANES), jnp.int32),
            pltpu.SemaphoreType.DMA,
            pltpu.SemaphoreType.DMA,
        ],
    )(_sc_count_kernel)
    rows = count(r_flat, t_flat)
    loss = pl.pallas_call(
        _tc_finish_kernel,
        out_shape=jax.ShapeDtypeStruct((1, 1), jnp.float32),
        out_specs=pl.BlockSpec(memory_space=pltpu.SMEM),
    )(rows)
    return loss[0, 0]


def kernel(reconstructed_image, target_image):
    r_flat = reconstructed_image.reshape(_N)
    t_flat = target_image.reshape(_N)
    return _loss(r_flat, t_flat)

# --- scband reference (transcript-rebuilt; emitter-appended) ---
"""Pipeline reference for scband-true3-dloss-15040975470955 (READ-ONLY COPY).

The authoritative reference and input builder live on the scoring server;
editing this copy changes nothing except your own understanding.
"""

import jax, jax.numpy as jnp
import numpy as np

TIMESTEPS = 1000
ZERO_WEIGHTING = 1.0
NONZERO_WEIGHTING = 1.0


def _expand_data_to_new_dim(x):
    # matches torch: x = x*timesteps - 1; clamp negatives to 0; .long(); scatter 1s along dim 2
    x = x * TIMESTEPS - 1.0
    x = jnp.where(x < 0, 0.0, x)
    idx = x.astype(jnp.int32)
    B, C = idx.shape[0], idx.shape[1]
    idx = idx.reshape(B, C, -1)  # (B, C, P)
    oh = jax.nn.one_hot(idx, TIMESTEPS, dtype=jnp.float32)  # (B, C, P, T)
    oh = jnp.moveaxis(oh, -1, 2)  # (B, C, T, P) -- same as torch scatter on dim=2
    return oh


def _acb_mse_loss(reconstructed, target):
    zero_mask = (target == 0).astype(jnp.float32)
    nonzero_mask = 1.0 - zero_mask
    diff2 = (reconstructed - target) ** 2
    n_zero = jnp.sum(zero_mask)
    n_nonzero = jnp.sum(nonzero_mask)
    zero_loss = jnp.where(n_zero > 0, jnp.sum(diff2 * zero_mask) / jnp.maximum(n_zero, 1.0), 0.0)
    nonzero_loss = jnp.where(n_nonzero > 0, jnp.sum(diff2 * nonzero_mask) / jnp.maximum(n_nonzero, 1.0), 0.0)
    return ZERO_WEIGHTING * zero_loss + NONZERO_WEIGHTING * nonzero_loss


def setup_inputs(seed: int = 0) -> dict:
    key = jax.random.key(seed)
    k1, k2 = jax.random.split(key)
    reconstructed_image = jax.random.uniform(k1, (4, 1, 96, 96), dtype=jnp.float32)
    target_image = jax.random.uniform(k2, (4, 1, 96, 96), dtype=jnp.float32)
    return {"reconstructed_image": reconstructed_image, "target_image": target_image}


def reference(reconstructed_image, target_image):
    reconstructed_3d = _expand_data_to_new_dim(reconstructed_image)
    target_3d = _expand_data_to_new_dim(target_image)
    return _acb_mse_loss(reconstructed_3d, target_3d)

if __name__ == "__main__":
    import jax
    _d = setup_inputs()
    print(jax.jit(kernel)(*tuple(_d.values())))

</pallas_src>

<mosaic_0001>
#map = affine_map<(d0, d1) -> (0)>
#map1 = affine_map<(d0, d1) -> (0, 0)>
module attributes {stable_mosaic.version = 14 : i64} {
  func.func @_sc_count_kernel(%arg0: i32, %arg1: i32, %arg2: memref<36864xf32, #tpu.memory_space<hbm>>, %arg3: memref<36864xf32, #tpu.memory_space<hbm>>, %arg4: memref<16x16xi32, #tpu.memory_space<hbm>>, %arg5: memref<2304xf32, #tpu.memory_space<vmem>>, %arg6: memref<2304xf32, #tpu.memory_space<vmem>>, %arg7: memref<1x16xi32, #tpu.memory_space<vmem>>, %arg8: memref<!tpu.dma_semaphore, #tpu.memory_space<semaphore_mem>>, %arg9: memref<!tpu.dma_semaphore, #tpu.memory_space<semaphore_mem>>) attributes {dimension_semantics = [#tpu.dimension_semantics<core_parallel>, #tpu.dimension_semantics<subcore_parallel>], iteration_bounds = array<i64: 1, 16>, scalar_prefetch = 0 : i64, scratch_operands = 5 : i64, tpu.core_type = #tpu.core_type<sc_vector_subcore>, window_params = [{transform_indices = #map}, {transform_indices = #map}, {transform_indices = #map1}]} {
    %mul3A = arith.constant 1 : i32
    %mul3A_0 = arith.muli %arg1, %mul3A : i32
    %add3A = arith.addi %mul3A_0, %arg0 : i32
    %mul3A_1 = arith.constant 2304 : i32
    %mul3A_2 = arith.muli %add3A, %mul3A_1 : i32
    %dma_start3A = arith.constant 0 : i32
    %dma_start3A_3 = tpu.memref_slice %arg5[%dma_start3A] : memref<2304xf32, #tpu.memory_space<vmem>> -> memref<576xf32, #tpu.memory_space<vmem>>
    %dma_start3A_4 = tpu.memref_slice %arg2[%mul3A_2] : memref<36864xf32, #tpu.memory_space<hbm>> -> memref<576xf32, #tpu.memory_space<hbm>>
    %dma_start3A_5 = arith.constant 0 : i32
    %dma_start3A_6 = tpu.memref_slice %arg5[%dma_start3A_5] : memref<2304xf32, #tpu.memory_space<vmem>> -> memref<576xf32, #tpu.memory_space<vmem>>
    %dma_start3A_7 = tpu.memref_slice %arg2[%mul3A_2] : memref<36864xf32, #tpu.memory_space<hbm>> -> memref<576xf32, #tpu.memory_space<hbm>>
    tpu.enqueue_dma source(%dma_start3A_7 : memref<576xf32, #tpu.memory_space<hbm>>) target(%dma_start3A_6 : memref<576xf32, #tpu.memory_space<vmem>>) target_semaphore(%arg8 : memref<!tpu.dma_semaphore, #tpu.memory_space<semaphore_mem>>)
    %dma_start3A_8 = arith.constant 0 : i32
    %dma_start3A_9 = tpu.memref_slice %arg6[%dma_start3A_8] : memref<2304xf32, #tpu.memory_space<vmem>> -> memref<576xf32, #tpu.memory_space<vmem>>
    %dma_start3A_10 = tpu.memref_slice %arg3[%mul3A_2] : memref<36864xf32, #tpu.memory_space<hbm>> -> memref<576xf32, #tpu.memory_space<hbm>>
    %dma_start3A_11 = arith.constant 0 : i32
    %dma_start3A_12 = tpu.memref_slice %arg6[%dma_start3A_11] : memref<2304xf32, #tpu.memory_space<vmem>> -> memref<576xf32, #tpu.memory_space<vmem>>
    %dma_start3A_13 = tpu.memref_slice %arg3[%mul3A_2] : memref<36864xf32, #tpu.memory_space<hbm>> -> memref<576xf32, #tpu.memory_space<hbm>>
    tpu.enqueue_dma source(%dma_start3A_13 : memref<576xf32, #tpu.memory_space<hbm>>) target(%dma_start3A_12 : memref<576xf32, #tpu.memory_space<vmem>>) target_semaphore(%arg8 : memref<!tpu.dma_semaphore, #tpu.memory_space<semaphore_mem>>)
    %add3A_14 = arith.constant 576 : i32
    %add3A_15 = arith.addi %mul3A_2, %add3A_14 : i32
    %dma_start3A_16 = arith.constant 576 : i32
    %dma_start3A_17 = tpu.memref_slice %arg5[%dma_start3A_16] : memref<2304xf32, #tpu.memory_space<vmem>> -> memref<1728xf32, #tpu.memory_space<vmem>>
    %dma_start3A_18 = tpu.memref_slice %arg2[%add3A_15] : memref<36864xf32, #tpu.memory_space<hbm>> -> memref<1728xf32, #tpu.memory_space<hbm>>
    %dma_start3A_19 = arith.constant 576 : i32
    %dma_start3A_20 = tpu.memref_slice %arg5[%dma_start3A_19] : memref<2304xf32, #tpu.memory_space<vmem>> -> memref<1728xf32, #tpu.memory_space<vmem>>
    %dma_start3A_21 = tpu.memref_slice %arg2[%add3A_15] : memref<36864xf32, #tpu.memory_space<hbm>> -> memref<1728xf32, #tpu.memory_space<hbm>>
    tpu.enqueue_dma source(%dma_start3A_21 : memref<1728xf32, #tpu.memory_space<hbm>>) target(%dma_start3A_20 : memref<1728xf32, #tpu.memory_space<vmem>>) target_semaphore(%arg9 : memref<!tpu.dma_semaphore, #tpu.memory_space<semaphore_mem>>)
    %add3A_22 = arith.constant 576 : i32
    %add3A_23 = arith.addi %mul3A_2, %add3A_22 : i32
    %dma_start3A_24 = arith.constant 576 : i32
    %dma_start3A_25 = tpu.memref_slice %arg6[%dma_start3A_24] : memref<2304xf32, #tpu.memory_space<vmem>> -> memref<1728xf32, #tpu.memory_space<vmem>>
    %dma_start3A_26 = tpu.memref_slice %arg3[%add3A_23] : memref<36864xf32, #tpu.memory_space<hbm>> -> memref<1728xf32, #tpu.memory_space<hbm>>
    %dma_start3A_27 = arith.constant 576 : i32
    %dma_start3A_28 = tpu.memref_slice %arg6[%dma_start3A_27] : memref<2304xf32, #tpu.memory_space<vmem>> -> memref<1728xf32, #tpu.memory_space<vmem>>
    %dma_start3A_29 = tpu.memref_slice %arg3[%add3A_23] : memref<36864xf32, #tpu.memory_space<hbm>> -> memref<1728xf32, #tpu.memory_space<hbm>>
    tpu.enqueue_dma source(%dma_start3A_29 : memref<1728xf32, #tpu.memory_space<hbm>>) target(%dma_start3A_28 : memref<1728xf32, #tpu.memory_space<vmem>>) target_semaphore(%arg9 : memref<!tpu.dma_semaphore, #tpu.memory_space<semaphore_mem>>)
    %dma_wait3A = arith.constant 0 : i32
    %dma_wait3A_30 = tpu.memref_slice %arg5[%dma_wait3A] : memref<2304xf32, #tpu.memory_space<vmem>> -> memref<576xf32, #tpu.memory_space<vmem>>
    %dma_wait3A_31 = tpu.memref_slice %arg2[%mul3A_2] : memref<36864xf32, #tpu.memory_space<hbm>> -> memref<576xf32, #tpu.memory_space<hbm>>
    %dma_wait3A_32 = arith.constant 0 : i32
    %dma_wait3A_33 = tpu.memref_slice %arg5[%dma_wait3A_32] : memref<2304xf32, #tpu.memory_space<vmem>> -> memref<576xf32, #tpu.memory_space<vmem>>
    %dma_wait3A_34 = tpu.memref_slice %arg2[%mul3A_2] : memref<36864xf32, #tpu.memory_space<hbm>> -> memref<576xf32, #tpu.memory_space<hbm>>
    tpu.wait_dma2 semaphore(%arg8 : memref<!tpu.dma_semaphore, #tpu.memory_space<semaphore_mem>>) src(%dma_wait3A_34 : memref<576xf32, #tpu.memory_space<hbm>>) dst(%dma_wait3A_33 : memref<576xf32, #tpu.memory_space<vmem>>)
    %dma_wait3A_35 = arith.constant 0 : i32
    %dma_wait3A_36 = tpu.memref_slice %arg6[%dma_wait3A_35] : memref<2304xf32, #tpu.memory_space<vmem>> -> memref<576xf32, #tpu.memory_space<vmem>>
    %dma_wait3A_37 = tpu.memref_slice %arg3[%mul3A_2] : memref<36864xf32, #tpu.memory_space<hbm>> -> memref<576xf32, #tpu.memory_space<hbm>>
    %dma_wait3A_38 = arith.constant 0 : i32
    %dma_wait3A_39 = tpu.memref_slice %arg6[%dma_wait3A_38] : memref<2304xf32, #tpu.memory_space<vmem>> -> memref<576xf32, #tpu.memory_space<vmem>>
    %dma_wait3A_40 = tpu.memref_slice %arg3[%mul3A_2] : memref<36864xf32, #tpu.memory_space<hbm>> -> memref<576xf32, #tpu.memory_space<hbm>>
    tpu.wait_dma2 semaphore(%arg8 : memref<!tpu.dma_semaphore, #tpu.memory_space<semaphore_mem>>) src(%dma_wait3A_40 : memref<576xf32, #tpu.memory_space<hbm>>) dst(%dma_wait3A_39 : memref<576xf32, #tpu.memory_space<vmem>>)
    %broadcast_in_dim3A = arith.constant 0 : i32
    %broadcast_in_dim3A_41 = vector.broadcast %broadcast_in_dim3A : i32 to vector<16xi32>
    %scan3A = arith.constant 0 : i32
    %scan3A_42 = arith.constant 9 : i32
    %scan3A_43 = arith.addi %scan3A, %scan3A_42 : i32
    %scan3A_44 = arith.constant 1 : i32
    %scan3A_45 = scf.for %scan3A_70 = %scan3A to %scan3A_43 step %scan3A_44 iter_args(%scan3A_71 = %broadcast_in_dim3A_41) -> (vector<16xi32>)  : i32 {
      %mul3A_72 = arith.constant 4 : i32
      %mul3A_73 = arith.muli %scan3A_70, %mul3A_72 : i32
      %add3A_74 = arith.constant 0 : i32
      %add3A_75 = arith.addi %mul3A_73, %add3A_74 : i32
      %mul3A_76 = arith.constant 16 : i32
      %mul3A_77 = arith.muli %add3A_75, %mul3A_76 : i32
      %add3A_78 = arith.constant 0 : i32
      %add3A_79 = arith.addi %add3A_78, %mul3A_77 : i32
      %get3A = arith.index_cast %add3A_79 : i32 to index
      %get3A_80 = tpu.vector_load %arg5[%get3A] {strides = array<i32>} : memref<2304xf32, #tpu.memory_space<vmem>>, vector<16xf32>,
      %get3A_81 = vector.shape_cast %get3A_80 : vector<16xf32> to vector<16xf32>
      %get3A_82 = arith.index_cast %add3A_79 : i32 to index
      %get3A_83 = tpu.vector_load %arg6[%get3A_82] {strides = array<i32>} : memref<2304xf32, #tpu.memory_space<vmem>>, vector<16xf32>,
      %get3A_84 = vector.shape_cast %get3A_83 : vector<16xf32> to vector<16xf32>
      %mul3A_85 = arith.constant 1.000000e+03 : f32
      %mul3A_86 = vector.broadcast %mul3A_85 : f32 to vector<16xf32>
      %mul3A_87 = arith.mulf %get3A_81, %mul3A_86 : vector<16xf32>
      %sub3A = arith.constant 1.000000e+00 : f32
      %sub3A_88 = vector.broadcast %sub3A : f32 to vector<16xf32>
      %sub3A_89 = arith.subf %mul3A_87, %sub3A_88 : vector<16xf32>
      %max3A = arith.constant 0.000000e+00 : f32
      %max3A_90 = vector.broadcast %max3A : f32 to vector<16xf32>
      %max3A_91 = arith.maximumf %sub3A_89, %max3A_90 : vector<16xf32>
      %convert_element_type3A = arith.fptosi %max3A_91 : vector<16xf32> to vector<16xi32>
      %mul3A_92 = arith.constant 1.000000e+03 : f32
      %mul3A_93 = vector.broadcast %mul3A_92 : f32 to vector<16xf32>
      %mul3A_94 = arith.mulf %get3A_84, %mul3A_93 : vector<16xf32>
      %sub3A_95 = arith.constant 1.000000e+00 : f32
      %sub3A_96 = vector.broadcast %sub3A_95 : f32 to vector<16xf32>
      %sub3A_97 = arith.subf %mul3A_94, %sub3A_96 : vector<16xf32>
      %max3A_98 = arith.constant 0.000000e+00 : f32
      %max3A_99 = vector.broadcast %max3A_98 : f32 to vector<16xf32>
      %max3A_100 = arith.maximumf %sub3A_97, %max3A_99 : vector<16xf32>
      %convert_element_type3A_101 = arith.fptosi %max3A_100 : vector<16xf32> to vector<16xi32>
      %ne3A = arith.cmpi ne, %convert_element_type3A, %convert_element_type3A_101 : vector<16xi32>
      %jit3A = arith.constant 1 : i32
      %jit3A_102 = arith.constant 0 : i32
      %broadcast_in_dim3A_103 = vector.broadcast %jit3A : i32 to vector<16xi32>
      %broadcast_in_dim3A_104 = vector.broadcast %jit3A_102 : i32 to vector<16xi32>
      %select_n3A = arith.select %ne3A, %broadcast_in_dim3A_103, %broadcast_in_dim3A_104 : vector<16xi1>, vector<16xi32>
      %add3A_105 = arith.addi %scan3A_71, %select_n3A : vector<16xi32>
      %mul3A_106 = arith.constant 4 : i32
      %mul3A_107 = arith.muli %scan3A_70, %mul3A_106 : i32
      %add3A_108 = arith.constant 1 : i32
      %add3A_109 = arith.addi %mul3A_107, %add3A_108 : i32
      %mul3A_110 = arith.constant 16 : i32
      %mul3A_111 = arith.muli %add3A_109, %mul3A_110 : i32
      %add3A_112 = arith.constant 0 : i32
      %add3A_113 = arith.addi %add3A_112, %mul3A_111 : i32
      %get3A_114 = arith.index_cast %add3A_113 : i32 to index
      %get3A_115 = tpu.vector_load %arg5[%get3A_114] {strides = array<i32>} : memref<2304xf32, #tpu.memory_space<vmem>>, vector<16xf32>,
      %get3A_116 = vector.shape_cast %get3A_115 : vector<16xf32> to vector<16xf32>
      %get3A_117 = arith.index_cast %add3A_113 : i32 to index
      %get3A_118 = tpu.vector_load %arg6[%get3A_117] {strides = array<i32>} : memref<2304xf32, #tpu.memory_space<vmem>>, vector<16xf32>,
      %get3A_119 = vector.shape_cast %get3A_118 : vector<16xf32> to vector<16xf32>
      %mul3A_120 = arith.constant 1.000000e+03 : f32
      %mul3A_121 = vector.broadcast %mul3A_120 : f32 to vector<16xf32>
      %mul3A_122 = arith.mulf %get3A_116, %mul3A_121 : vector<16xf32>
      %sub3A_123 = arith.constant 1.000000e+00 : f32
      %sub3A_124 = vector.broadcast %sub3A_123 : f32 to vector<16xf32>
      %sub3A_125 = arith.subf %mul3A_122, %sub3A_124 : vector<16xf32>
      %max3A_126 = arith.constant 0.000000e+00 : f32
      %max3A_127 = vector.broadcast %max3A_126 : f32 to vector<16xf32>
      %max3A_128 = arith.maximumf %sub3A_125, %max3A_127 : vector<16xf32>
      %convert_element_type3A_129 = arith.fptosi %max3A_128 : vector<16xf32> to vector<16xi32>
      %mul3A_130 = arith.constant 1.000000e+03 : f32
      %mul3A_131 = vector.broadcast %mul3A_130 : f32 to vector<16xf32>
      %mul3A_132 = arith.mulf %get3A_119, %mul3A_131 : vector<16xf32>
      %sub3A_133 = arith.constant 1.000000e+00 : f32
      %sub3A_134 = vector.broadcast %sub3A_133 : f32 to vector<16xf32>
      %sub3A_135 = arith.subf %mul3A_132, %sub3A_134 : vector<16xf32>
      %max3A_136 = arith.constant 0.000000e+00 : f32
      %max3A_137 = vector.broadcast %max3A_136 : f32 to vector<16xf32>
      %max3A_138 = arith.maximumf %sub3A_135, %max3A_137 : vector<16xf32>
      %convert_element_type3A_139 = arith.fptosi %max3A_138 : vector<16xf32> to vector<16xi32>
      %ne3A_140 = arith.cmpi ne, %convert_element_type3A_129, %convert_element_type3A_139 : vector<16xi32>
      %jit3A_141 = arith.constant 1 : i32
      %jit3A_142 = arith.constant 0 : i32
      %broadcast_in_dim3A_143 = vector.broadcast %jit3A_141 : i32 to vector<16xi32>
      %broadcast_in_dim3A_144 = vector.broadcast %jit3A_142 : i32 to vector<16xi32>
      %select_n3A_145 = arith.select %ne3A_140, %broadcast_in_dim3A_143, %broadcast_in_dim3A_144 : vector<16xi1>, vector<16xi32>
      %add3A_146 = arith.addi %add3A_105, %select_n3A_145 : vector<16xi32>
      %mul3A_147 = arith.constant 4 : i32
      %mul3A_148 = arith.muli %scan3A_70, %mul3A_147 : i32
      %add3A_149 = arith.constant 2 : i32
      %add3A_150 = arith.addi %mul3A_148, %add3A_149 : i32
      %mul3A_151 = arith.constant 16 : i32
      %mul3A_152 = arith.muli %add3A_150, %mul3A_151 : i32
      %add3A_153 = arith.constant 0 : i32
      %add3A_154 = arith.addi %add3A_153, %mul3A_152 : i32
      %get3A_155 = arith.index_cast %add3A_154 : i32 to index
      %get3A_156 = tpu.vector_load %arg5[%get3A_155] {strides = array<i32>} : memref<2304xf32, #tpu.memory_space<vmem>>, vector<16xf32>,
      %get3A_157 = vector.shape_cast %get3A_156 : vector<16xf32> to vector<16xf32>
      %get3A_158 = arith.index_cast %add3A_154 : i32 to index
      %get3A_159 = tpu.vector_load %arg6[%get3A_158] {strides = array<i32>} : memref<2304xf32, #tpu.memory_space<vmem>>, vector<16xf32>,
      %get3A_160 = vector.shape_cast %get3A_159 : vector<16xf32> to vector<16xf32>
      %mul3A_161 = arith.constant 1.000000e+03 : f32
      %mul3A_162 = vector.broadcast %mul3A_161 : f32 to vector<16xf32>
      %mul3A_163 = arith.mulf %get3A_157, %mul3A_162 : vector<16xf32>
      %sub3A_164 = arith.constant 1.000000e+00 : f32
      %sub3A_165 = vector.broadcast %sub3A_164 : f32 to vector<16xf32>
      %sub3A_166 = arith.subf %mul3A_163, %sub3A_165 : vector<16xf32>
      %max3A_167 = arith.constant 0.000000e+00 : f32
      %max3A_168 = vector.broadcast %max3A_167 : f32 to vector<16xf32>
      %max3A_169 = arith.maximumf %sub3A_166, %max3A_168 : vector<16xf32>
      %convert_element_type3A_170 = arith.fptosi %max3A_169 : vector<16xf32> to vector<16xi32>
      %mul3A_171 = arith.constant 1.000000e+03 : f32
      %mul3A_172 = vector.broadcast %mul3A_171 : f32 to vector<16xf32>
      %mul3A_173 = arith.mulf %get3A_160, %mul3A_172 : vector<16xf32>
      %sub3A_174 = arith.constant 1.000000e+00 : f32
      %sub3A_175 = vector.broadcast %sub3A_174 : f32 to vector<16xf32>
      %sub3A_176 = arith.subf %mul3A_173, %sub3A_175 : vector<16xf32>
      %max3A_177 = arith.constant 0.000000e+00 : f32
      %max3A_178 = vector.broadcast %max3A_177 : f32 to vector<16xf32>
      %max3A_179 = arith.maximumf %sub3A_176, %max3A_178 : vector<16xf32>
      %convert_element_type3A_180 = arith.fptosi %max3A_179 : vector<16xf32> to vector<16xi32>
      %ne3A_181 = arith.cmpi ne, %convert_element_type3A_170, %convert_element_type3A_180 : vector<16xi32>
      %jit3A_182 = arith.constant 1 : i32
      %jit3A_183 = arith.constant 0 : i32
      %broadcast_in_dim3A_184 = vector.broadcast %jit3A_182 : i32 to vector<16xi32>
      %broadcast_in_dim3A_185 = vector.broadcast %jit3A_183 : i32 to vector<16xi32>
      %select_n3A_186 = arith.select %ne3A_181, %broadcast_in_dim3A_184, %broadcast_in_dim3A_185 : vector<16xi1>, vector<16xi32>
      %add3A_187 = arith.addi %add3A_146, %select_n3A_186 : vector<16xi32>
      %mul3A_188 = arith.constant 4 : i32
      %mul3A_189 = arith.muli %scan3A_70, %mul3A_188 : i32
      %add3A_190 = arith.constant 3 : i32
      %add3A_191 = arith.addi %mul3A_189, %add3A_190 : i32
      %mul3A_192 = arith.constant 16 : i32
      %mul3A_193 = arith.muli %add3A_191, %mul3A_192 : i32
      %add3A_194 = arith.constant 0 : i32
      %add3A_195 = arith.addi %add3A_194, %mul3A_193 : i32
      %get3A_196 = arith.index_cast %add3A_195 : i32 to index
      %get3A_197 = tpu.vector_load %arg5[%get3A_196] {strides = array<i32>} : memref<2304xf32, #tpu.memory_space<vmem>>, vector<16xf32>,
      %get3A_198 = vector.shape_cast %get3A_197 : vector<16xf32> to vector<16xf32>
      %get3A_199 = arith.index_cast %add3A_195 : i32 to index
      %get3A_200 = tpu.vector_load %arg6[%get3A_199] {strides = array<i32>} : memref<2304xf32, #tpu.memory_space<vmem>>, vector<16xf32>,
      %get3A_201 = vector.shape_cast %get3A_200 : vector<16xf32> to vector<16xf32>
      %mul3A_202 = arith.constant 1.000000e+03 : f32
      %mul3A_203 = vector.broadcast %mul3A_202 : f32 to vector<16xf32>
      %mul3A_204 = arith.mulf %get3A_198, %mul3A_203 : vector<16xf32>
      %sub3A_205 = arith.constant 1.000000e+00 : f32
      %sub3A_206 = vector.broadcast %sub3A_205 : f32 to vector<16xf32>
      %sub3A_207 = arith.subf %mul3A_204, %sub3A_206 : vector<16xf32>
      %max3A_208 = arith.constant 0.000000e+00 : f32
      %max3A_209 = vector.broadcast %max3A_208 : f32 to vector<16xf32>
      %max3A_210 = arith.maximumf %sub3A_207, %max3A_209 : vector<16xf32>
      %convert_element_type3A_211 = arith.fptosi %max3A_210 : vector<16xf32> to vector<16xi32>
      %mul3A_212 = arith.constant 1.000000e+03 : f32
      %mul3A_213 = vector.broadcast %mul3A_212 : f32 to vector<16xf32>
      %mul3A_214 = arith.mulf %get3A_201, %mul3A_213 : vector<16xf32>
      %sub3A_215 = arith.constant 1.000000e+00 : f32
      %sub3A_216 = vector.broadcast %sub3A_215 : f32 to vector<16xf32>
      %sub3A_217 = arith.subf %mul3A_214, %sub3A_216 : vector<16xf32>
      %max3A_218 = arith.constant 0.000000e+00 : f32
      %max3A_219 = vector.broadcast %max3A_218 : f32 to vector<16xf32>
      %max3A_220 = arith.maximumf %sub3A_217, %max3A_219 : vector<16xf32>
      %convert_element_type3A_221 = arith.fptosi %max3A_220 : vector<16xf32> to vector<16xi32>
      %ne3A_222 = arith.cmpi ne, %convert_element_type3A_211, %convert_element_type3A_221 : vector<16xi32>
      %jit3A_223 = arith.constant 1 : i32
      %jit3A_224 = arith.constant 0 : i32
      %broadcast_in_dim3A_225 = vector.broadcast %jit3A_223 : i32 to vector<16xi32>
      %broadcast_in_dim3A_226 = vector.broadcast %jit3A_224 : i32 to vector<16xi32>
      %select_n3A_227 = arith.select %ne3A_222, %broadcast_in_dim3A_225, %broadcast_in_dim3A_226 : vector<16xi1>, vector<16xi32>
      %add3A_228 = arith.addi %add3A_187, %select_n3A_227 : vector<16xi32>
      scf.yield %add3A_228 : vector<16xi32>
    }
    %scan3A_46 = arith.constant 9 : i32
    %dma_wait3A_47 = arith.constant 576 : i32
    %dma_wait3A_48 = tpu.memref_slice %arg5[%dma_wait3A_47] : memref<2304xf32, #tpu.memory_space<vmem>> -> memref<1728xf32, #tpu.memory_space<vmem>>
    %dma_wait3A_49 = tpu.memref_slice %arg2[%add3A_15] : memref<36864xf32, #tpu.memory_space<hbm>> -> memref<1728xf32, #tpu.memory_space<hbm>>
    %dma_wait3A_50 = arith.constant 576 : i32
    %dma_wait3A_51 = tpu.memref_slice %arg5[%dma_wait3A_50] : memref<2304xf32, #tpu.memory_space<vmem>> -> memref<1728xf32, #tpu.memory_space<vmem>>
    %dma_wait3A_52 = tpu.memref_slice %arg2[%add3A_15] : memref<36864xf32, #tpu.memory_space<hbm>> -> memref<1728xf32, #tpu.memory_space<hbm>>
    tpu.wait_dma2 semaphore(%arg9 : memref<!tpu.dma_semaphore, #tpu.memory_space<semaphore_mem>>) src(%dma_wait3A_52 : memref<1728xf32, #tpu.memory_space<hbm>>) dst(%dma_wait3A_51 : memref<1728xf32, #tpu.memory_space<vmem>>)
    %dma_wait3A_53 = arith.constant 576 : i32
    %dma_wait3A_54 = tpu.memref_slice %arg6[%dma_wait3A_53] : memref<2304xf32, #tpu.memory_space<vmem>> -> memref<1728xf32, #tpu.memory_space<vmem>>
    %dma_wait3A_55 = tpu.memref_slice %arg3[%add3A_23] : memref<36864xf32, #tpu.memory_space<hbm>> -> memref<1728xf32, #tpu.memory_space<hbm>>
    %dma_wait3A_56 = arith.constant 576 : i32
    %dma_wait3A_57 = tpu.memref_slice %arg6[%dma_wait3A_56] : memref<2304xf32, #tpu.memory_space<vmem>> -> memref<1728xf32, #tpu.memory_space<vmem>>
    %dma_wait3A_58 = tpu.memref_slice %arg3[%add3A_23] : memref<36864xf32, #tpu.memory_space<hbm>> -> memref<1728xf32, #tpu.memory_space<hbm>>
    tpu.wait_dma2 semaphore(%arg9 : memref<!tpu.dma_semaphore, #tpu.memory_space<semaphore_mem>>) src(%dma_wait3A_58 : memref<1728xf32, #tpu.memory_space<hbm>>) dst(%dma_wait3A_57 : memref<1728xf32, #tpu.memory_space<vmem>>)
    %scan3A_59 = arith.constant 0 : i32
    %scan3A_60 = arith.constant 27 : i32
    %scan3A_61 = arith.addi %scan3A_59, %scan3A_60 : i32
    %scan3A_62 = arith.constant 1 : i32
    %scan3A_63 = scf.for %scan3A_70 = %scan3A_59 to %scan3A_61 step %scan3A_62 iter_args(%scan3A_71 = %scan3A_45) -> (vector<16xi32>)  : i32 {
      %mul3A_72 = arith.constant 4 : i32
      %mul3A_73 = arith.muli %scan3A_70, %mul3A_72 : i32
      %add3A_74 = arith.constant 0 : i32
      %add3A_75 = arith.addi %mul3A_73, %add3A_74 : i32
      %mul3A_76 = arith.constant 16 : i32
      %mul3A_77 = arith.muli %add3A_75, %mul3A_76 : i32
      %add3A_78 = arith.constant 576 : i32
      %add3A_79 = arith.addi %add3A_78, %mul3A_77 : i32
      %get3A = arith.index_cast %add3A_79 : i32 to index
      %get3A_80 = tpu.vector_load %arg5[%get3A] {strides = array<i32>} : memref<2304xf32, #tpu.memory_space<vmem>>, vector<16xf32>,
      %get3A_81 = vector.shape_cast %get3A_80 : vector<16xf32> to vector<16xf32>
      %get3A_82 = arith.index_cast %add3A_79 : i32 to index
      %get3A_83 = tpu.vector_load %arg6[%get3A_82] {strides = array<i32>} : memref<2304xf32, #tpu.memory_space<vmem>>, vector<16xf32>,
      %get3A_84 = vector.shape_cast %get3A_83 : vector<16xf32> to vector<16xf32>
      %mul3A_85 = arith.constant 1.000000e+03 : f32
      %mul3A_86 = vector.broadcast %mul3A_85 : f32 to vector<16xf32>
      %mul3A_87 = arith.mulf %get3A_81, %mul3A_86 : vector<16xf32>
      %sub3A = arith.constant 1.000000e+00 : f32
      %sub3A_88 = vector.broadcast %sub3A : f32 to vector<16xf32>
      %sub3A_89 = arith.subf %mul3A_87, %sub3A_88 : vector<16xf32>
      %max3A = arith.constant 0.000000e+00 : f32
      %max3A_90 = vector.broadcast %max3A : f32 to vector<16xf32>
      %max3A_91 = arith.maximumf %sub3A_89, %max3A_90 : vector<16xf32>
      %convert_element_type3A = arith.fptosi %max3A_91 : vector<16xf32> to vector<16xi32>
      %mul3A_92 = arith.constant 1.000000e+03 : f32
      %mul3A_93 = vector.broadcast %mul3A_92 : f32 to vector<16xf32>
      %mul3A_94 = arith.mulf %get3A_84, %mul3A_93 : vector<16xf32>
      %sub3A_95 = arith.constant 1.000000e+00 : f32
      %sub3A_96 = vector.broadcast %sub3A_95 : f32 to vector<16xf32>
      %sub3A_97 = arith.subf %mul3A_94, %sub3A_96 : vector<16xf32>
      %max3A_98 = arith.constant 0.000000e+00 : f32
      %max3A_99 = vector.broadcast %max3A_98 : f32 to vector<16xf32>
      %max3A_100 = arith.maximumf %sub3A_97, %max3A_99 : vector<16xf32>
      %convert_element_type3A_101 = arith.fptosi %max3A_100 : vector<16xf32> to vector<16xi32>
      %ne3A = arith.cmpi ne, %convert_element_type3A, %convert_element_type3A_101 : vector<16xi32>
      %jit3A = arith.constant 1 : i32
      %jit3A_102 = arith.constant 0 : i32
      %broadcast_in_dim3A_103 = vector.broadcast %jit3A : i32 to vector<16xi32>
      %broadcast_in_dim3A_104 = vector.broadcast %jit3A_102 : i32 to vector<16xi32>
      %select_n3A = arith.select %ne3A, %broadcast_in_dim3A_103, %broadcast_in_dim3A_104 : vector<16xi1>, vector<16xi32>
      %add3A_105 = arith.addi %scan3A_71, %select_n3A : vector<16xi32>
      %mul3A_106 = arith.constant 4 : i32
      %mul3A_107 = arith.muli %scan3A_70, %mul3A_106 : i32
      %add3A_108 = arith.constant 1 : i32
      %add3A_109 = arith.addi %mul3A_107, %add3A_108 : i32
      %mul3A_110 = arith.constant 16 : i32
      %mul3A_111 = arith.muli %add3A_109, %mul3A_110 : i32
      %add3A_112 = arith.constant 576 : i32
      %add3A_113 = arith.addi %add3A_112, %mul3A_111 : i32
      %get3A_114 = arith.index_cast %add3A_113 : i32 to index
      %get3A_115 = tpu.vector_load %arg5[%get3A_114] {strides = array<i32>} : memref<2304xf32, #tpu.memory_space<vmem>>, vector<16xf32>,
      %get3A_116 = vector.shape_cast %get3A_115 : vector<16xf32> to vector<16xf32>
      %get3A_117 = arith.index_cast %add3A_113 : i32 to index
      %get3A_118 = tpu.vector_load %arg6[%get3A_117] {strides = array<i32>} : memref<2304xf32, #tpu.memory_space<vmem>>, vector<16xf32>,
      %get3A_119 = vector.shape_cast %get3A_118 : vector<16xf32> to vector<16xf32>
      %mul3A_120 = arith.constant 1.000000e+03 : f32
      %mul3A_121 = vector.broadcast %mul3A_120 : f32 to vector<16xf32>
      %mul3A_122 = arith.mulf %get3A_116, %mul3A_121 : vector<16xf32>
      %sub3A_123 = arith.constant 1.000000e+00 : f32
      %sub3A_124 = vector.broadcast %sub3A_123 : f32 to vector<16xf32>
      %sub3A_125 = arith.subf %mul3A_122, %sub3A_124 : vector<16xf32>
      %max3A_126 = arith.constant 0.000000e+00 : f32
      %max3A_127 = vector.broadcast %max3A_126 : f32 to vector<16xf32>
      %max3A_128 = arith.maximumf %sub3A_125, %max3A_127 : vector<16xf32>
      %convert_element_type3A_129 = arith.fptosi %max3A_128 : vector<16xf32> to vector<16xi32>
      %mul3A_130 = arith.constant 1.000000e+03 : f32
      %mul3A_131 = vector.broadcast %mul3A_130 : f32 to vector<16xf32>
      %mul3A_132 = arith.mulf %get3A_119, %mul3A_131 : vector<16xf32>
      %sub3A_133 = arith.constant 1.000000e+00 : f32
      %sub3A_134 = vector.broadcast %sub3A_133 : f32 to vector<16xf32>
      %sub3A_135 = arith.subf %mul3A_132, %sub3A_134 : vector<16xf32>
      %max3A_136 = arith.constant 0.000000e+00 : f32
      %max3A_137 = vector.broadcast %max3A_136 : f32 to vector<16xf32>
      %max3A_138 = arith.maximumf %sub3A_135, %max3A_137 : vector<16xf32>
      %convert_element_type3A_139 = arith.fptosi %max3A_138 : vector<16xf32> to vector<16xi32>
      %ne3A_140 = arith.cmpi ne, %convert_element_type3A_129, %convert_element_type3A_139 : vector<16xi32>
      %jit3A_141 = arith.constant 1 : i32
      %jit3A_142 = arith.constant 0 : i32
      %broadcast_in_dim3A_143 = vector.broadcast %jit3A_141 : i32 to vector<16xi32>
      %broadcast_in_dim3A_144 = vector.broadcast %jit3A_142 : i32 to vector<16xi32>
      %select_n3A_145 = arith.select %ne3A_140, %broadcast_in_dim3A_143, %broadcast_in_dim3A_144 : vector<16xi1>, vector<16xi32>
      %add3A_146 = arith.addi %add3A_105, %select_n3A_145 : vector<16xi32>
      %mul3A_147 = arith.constant 4 : i32
      %mul3A_148 = arith.muli %scan3A_70, %mul3A_147 : i32
      %add3A_149 = arith.constant 2 : i32
      %add3A_150 = arith.addi %mul3A_148, %add3A_149 : i32
      %mul3A_151 = arith.constant 16 : i32
      %mul3A_152 = arith.muli %add3A_150, %mul3A_151 : i32
      %add3A_153 = arith.constant 576 : i32
      %add3A_154 = arith.addi %add3A_153, %mul3A_152 : i32
      %get3A_155 = arith.index_cast %add3A_154 : i32 to index
      %get3A_156 = tpu.vector_load %arg5[%get3A_155] {strides = array<i32>} : memref<2304xf32, #tpu.memory_space<vmem>>, vector<16xf32>,
      %get3A_157 = vector.shape_cast %get3A_156 : vector<16xf32> to vector<16xf32>
      %get3A_158 = arith.index_cast %add3A_154 : i32 to index
      %get3A_159 = tpu.vector_load %arg6[%get3A_158] {strides = array<i32>} : memref<2304xf32, #tpu.memory_space<vmem>>, vector<16xf32>,
      %get3A_160 = vector.shape_cast %get3A_159 : vector<16xf32> to vector<16xf32>
      %mul3A_161 = arith.constant 1.000000e+03 : f32
      %mul3A_162 = vector.broadcast %mul3A_161 : f32 to vector<16xf32>
      %mul3A_163 = arith.mulf %get3A_157, %mul3A_162 : vector<16xf32>
      %sub3A_164 = arith.constant 1.000000e+00 : f32
      %sub3A_165 = vector.broadcast %sub3A_164 : f32 to vector<16xf32>
      %sub3A_166 = arith.subf %mul3A_163, %sub3A_165 : vector<16xf32>
      %max3A_167 = arith.constant 0.000000e+00 : f32
      %max3A_168 = vector.broadcast %max3A_167 : f32 to vector<16xf32>
      %max3A_169 = arith.maximumf %sub3A_166, %max3A_168 : vector<16xf32>
      %convert_element_type3A_170 = arith.fptosi %max3A_169 : vector<16xf32> to vector<16xi32>
      %mul3A_171 = arith.constant 1.000000e+03 : f32
      %mul3A_172 = vector.broadcast %mul3A_171 : f32 to vector<16xf32>
      %mul3A_173 = arith.mulf %get3A_160, %mul3A_172 : vector<16xf32>
      %sub3A_174 = arith.constant 1.000000e+00 : f32
      %sub3A_175 = vector.broadcast %sub3A_174 : f32 to vector<16xf32>
      %sub3A_176 = arith.subf %mul3A_173, %sub3A_175 : vector<16xf32>
      %max3A_177 = arith.constant 0.000000e+00 : f32
      %max3A_178 = vector.broadcast %max3A_177 : f32 to vector<16xf32>
      %max3A_179 = arith.maximumf %sub3A_176, %max3A_178 : vector<16xf32>
      %convert_element_type3A_180 = arith.fptosi %max3A_179 : vector<16xf32> to vector<16xi32>
      %ne3A_181 = arith.cmpi ne, %convert_element_type3A_170, %convert_element_type3A_180 : vector<16xi32>
      %jit3A_182 = arith.constant 1 : i32
      %jit3A_183 = arith.constant 0 : i32
      %broadcast_in_dim3A_184 = vector.broadcast %jit3A_182 : i32 to vector<16xi32>
      %broadcast_in_dim3A_185 = vector.broadcast %jit3A_183 : i32 to vector<16xi32>
      %select_n3A_186 = arith.select %ne3A_181, %broadcast_in_dim3A_184, %broadcast_in_dim3A_185 : vector<16xi1>, vector<16xi32>
      %add3A_187 = arith.addi %add3A_146, %select_n3A_186 : vector<16xi32>
      %mul3A_188 = arith.constant 4 : i32
      %mul3A_189 = arith.muli %scan3A_70, %mul3A_188 : i32
      %add3A_190 = arith.constant 3 : i32
      %add3A_191 = arith.addi %mul3A_189, %add3A_190 : i32
      %mul3A_192 = arith.constant 16 : i32
      %mul3A_193 = arith.muli %add3A_191, %mul3A_192 : i32
      %add3A_194 = arith.constant 576 : i32
      %add3A_195 = arith.addi %add3A_194, %mul3A_193 : i32
      %get3A_196 = arith.index_cast %add3A_195 : i32 to index
      %get3A_197 = tpu.vector_load %arg5[%get3A_196] {strides = array<i32>} : memref<2304xf32, #tpu.memory_space<vmem>>, vector<16xf32>,
      %get3A_198 = vector.shape_cast %get3A_197 : vector<16xf32> to vector<16xf32>
      %get3A_199 = arith.index_cast %add3A_195 : i32 to index
      %get3A_200 = tpu.vector_load %arg6[%get3A_199] {strides = array<i32>} : memref<2304xf32, #tpu.memory_space<vmem>>, vector<16xf32>,
      %get3A_201 = vector.shape_cast %get3A_200 : vector<16xf32> to vector<16xf32>
      %mul3A_202 = arith.constant 1.000000e+03 : f32
      %mul3A_203 = vector.broadcast %mul3A_202 : f32 to vector<16xf32>
      %mul3A_204 = arith.mulf %get3A_198, %mul3A_203 : vector<16xf32>
      %sub3A_205 = arith.constant 1.000000e+00 : f32
      %sub3A_206 = vector.broadcast %sub3A_205 : f32 to vector<16xf32>
      %sub3A_207 = arith.subf %mul3A_204, %sub3A_206 : vector<16xf32>
      %max3A_208 = arith.constant 0.000000e+00 : f32
      %max3A_209 = vector.broadcast %max3A_208 : f32 to vector<16xf32>
      %max3A_210 = arith.maximumf %sub3A_207, %max3A_209 : vector<16xf32>
      %convert_element_type3A_211 = arith.fptosi %max3A_210 : vector<16xf32> to vector<16xi32>
      %mul3A_212 = arith.constant 1.000000e+03 : f32
      %mul3A_213 = vector.broadcast %mul3A_212 : f32 to vector<16xf32>
      %mul3A_214 = arith.mulf %get3A_201, %mul3A_213 : vector<16xf32>
      %sub3A_215 = arith.constant 1.000000e+00 : f32
      %sub3A_216 = vector.broadcast %sub3A_215 : f32 to vector<16xf32>
      %sub3A_217 = arith.subf %mul3A_214, %sub3A_216 : vector<16xf32>
      %max3A_218 = arith.constant 0.000000e+00 : f32
      %max3A_219 = vector.broadcast %max3A_218 : f32 to vector<16xf32>
      %max3A_220 = arith.maximumf %sub3A_217, %max3A_219 : vector<16xf32>
      %convert_element_type3A_221 = arith.fptosi %max3A_220 : vector<16xf32> to vector<16xi32>
      %ne3A_222 = arith.cmpi ne, %convert_element_type3A_211, %convert_element_type3A_221 : vector<16xi32>
      %jit3A_223 = arith.constant 1 : i32
      %jit3A_224 = arith.constant 0 : i32
      %broadcast_in_dim3A_225 = vector.broadcast %jit3A_223 : i32 to vector<16xi32>
      %broadcast_in_dim3A_226 = vector.broadcast %jit3A_224 : i32 to vector<16xi32>
      %select_n3A_227 = arith.select %ne3A_222, %broadcast_in_dim3A_225, %broadcast_in_dim3A_226 : vector<16xi1>, vector<16xi32>
      %add3A_228 = arith.addi %add3A_187, %select_n3A_227 : vector<16xi32>
      scf.yield %add3A_228 : vector<16xi32>
    }
    %scan3A_64 = arith.constant 27 : i32
    %swap3A = arith.constant 0 : i32
    %swap3A_65 = arith.index_cast %swap3A : i32 to index
    %swap3A_66 = arith.constant 0 : index
    %swap3A_67 = tpu.vector_load %arg7[%swap3A_65, %swap3A_66] {strides = array<i32>} : memref<1x16xi32, #tpu.memory_space<vmem>>, vector<1x16xi32>,
    %swap3A_68 = vector.shape_cast %swap3A_67 : vector<1x16xi32> to vector<16xi32>
    %swap3A_69 = vector.shape_cast %scan3A_63 : vector<16xi32> to vector<1x16xi32>
    tpu.vector_store %arg7[%swap3A_65, %swap3A_66], %swap3A_69 {strides = array<i32>} : memref<1x16xi32, #tpu.memory_space<vmem>>, vector<1x16xi32>,
    "tpu.region"() ({
      %run_scoped3A = tpu.sem_alloc : memref<!tpu.dma_semaphore, #tpu.memory_space<semaphore_mem>>
      %dma_start3A_70 = arith.constant 0 : i32
      %dma_start3A_71 = tpu.memref_slice %arg4[%add3A, %dma_start3A_70] : memref<16x16xi32, #tpu.memory_space<hbm>> -> memref<1x16xi32, #tpu.memory_space<hbm>>
      %dma_start3A_72 = arith.constant 0 : i32
      %dma_start3A_73 = tpu.memref_slice %arg4[%add3A, %dma_start3A_72] : memref<16x16xi32, #tpu.memory_space<hbm>> -> memref<1x16xi32, #tpu.memory_space<hbm>>
      tpu.enqueue_dma source(%arg7 : memref<1x16xi32, #tpu.memory_space<vmem>>) target(%dma_start3A_73 : memref<1x16xi32, #tpu.memory_space<hbm>>) target_semaphore(%run_scoped3A : memref<!tpu.dma_semaphore, #tpu.memory_space<semaphore_mem>>)
      %dma_wait3A_74 = arith.constant 0 : i32
      %dma_wait3A_75 = tpu.memref_slice %arg4[%add3A, %dma_wait3A_74] : memref<16x16xi32, #tpu.memory_space<hbm>> -> memref<1x16xi32, #tpu.memory_space<hbm>>
      %dma_wait3A_76 = arith.constant 0 : i32
      %dma_wait3A_77 = tpu.memref_slice %arg4[%add3A, %dma_wait3A_76] : memref<16x16xi32, #tpu.memory_space<hbm>> -> memref<1x16xi32, #tpu.memory_space<hbm>>
      tpu.wait_dma2 semaphore(%run_scoped3A : memref<!tpu.dma_semaphore, #tpu.memory_space<semaphore_mem>>) src(%arg7 : memref<1x16xi32, #tpu.memory_space<vmem>>) dst(%dma_wait3A_77 : memref<1x16xi32, #tpu.memory_space<hbm>>)
      tpu.yield
    }) : () -> ()
    return
  }
}

module attributes {stable_mosaic.version = 14 : i64} {
  func.func @_tc_finish_kernel(%arg0: memref<16x16xi32, #tpu.memory_space<vmem>>, %arg1: memref<1x1xf32, #tpu.memory_space<smem>>) attributes {dimension_semantics = [], scalar_prefetch = 0 : i64, scratch_operands = 0 : i64, tpu.core_type = #tpu.core_type<tc>} {
    %get3A = arith.constant 0 : index
    %get3A_0 = arith.constant 0 : index
    %get3A_1 = vector.load %arg0[%get3A, %get3A_0] : memref<16x16xi32, #tpu.memory_space<vmem>>, vector<16x16xi32>
    %convert_element_type3A = arith.sitofp %get3A_1 : vector<16x16xi32> to vector<16x16xf32>
    %reduce_sum3A = vector.shape_cast %convert_element_type3A : vector<16x16xf32> to vector<1x16x16xf32>
    %reduce_sum3A_2 = arith.constant dense<0.000000e+00> : vector<1xf32>
    %reduce_sum3A_3 = vector.multi_reduction <add>, %reduce_sum3A, %reduce_sum3A_2 [1, 2] : vector<1x16x16xf32> to vector<1xf32>
    %reduce_sum3A_4 = vector.shape_cast %reduce_sum3A_3 : vector<1xf32> to vector<1x1x1xf32>
    %reduce_sum3A_5 = vector.extract %reduce_sum3A_4[0, 0, 0] : f32 from vector<1x1x1xf32>
    %mul3A = arith.constant 2.71538902E-5 : f32
    %mul3A_6 = arith.mulf %reduce_sum3A_5, %mul3A : f32
    %swap3A = arith.constant 0 : index
    %swap3A_7 = arith.constant 0 : index
    %swap3A_8 = memref.load %arg1[%swap3A, %swap3A_7] : memref<1x1xf32, #tpu.memory_space<smem>>
    memref.store %mul3A_6, %arg1[%swap3A, %swap3A_7] : memref<1x1xf32, #tpu.memory_space<smem>>
    return
  }
}

</mosaic_0001>

<sc_bundles>
// kernel: _loss.4.cloned.1.call-start
scs
__scs_entry_jumppad:
0x0: {  	(pc) =	sbr.rel $0x88, $3  }
0x1: {  	(tag) =	ssettag $0x0;
	lr =	simm.s32 $0x1  }
0x2: {  	[smem:$0x3F9F] =	sst lr;
	_ =	strace $0xD0000000  }
0x3: {  	_ = 	snop  }
0x4: {  	_ = 	snop  }
0x5: {  	_ = 	snop  }
0x6: {  	_ = 	snop  }
0x7: {  	_ = 	snop  }
__scs_overlays_trampoline_lowered:
0x8: {  	[smem:$0x3FAE] =	sst s0  }
0x9: {  	[smem:$0x3FAF] =	sst s1  }
0xa: {  	[smem:$0x3FB0] =	sst s2  }
0xb: {  	[smem:$0x3FB1] =	sst s3  }
0xc: {  	[smem:$0x3FB2] =	sst s4  }
0xd: {  	[smem:$0x3FB3] =	sst s5  }
0xe: {  	[smem:$0x3FB4] =	sst s6  }
0xf: {  	[smem:$0x3FB5] =	sst s7  }
0x10: {  	[smem:$0x3FB6] =	sst s8  }
0x11: {  	[smem:$0x3FB7] =	sst s9;
	s0 =	simm.s32 @!p0 $0x0  }
0x12: {  	s1 =	sld [smem:$0x3F9D];
	s0 =	simm.s32 @p0 $0x1  }
0x13: {  	[smem:$0x3FB8] =	sst s0;
	s0 =	simm.s32 @!p1 $0x0  }
0x14: {  	s2 =	sld [smem:$0x3F9C];
	s0 =	simm.s32 @p1 $0x1  }
0x15: {  	[smem:$0x3FB9] =	sst s0;
	s0 =	simm.s32 @!p2 $0x0  }
0x16: {  	s3 =	sld [smem:$0x3FDB];
	s0 =	simm.s32 @p2 $0x1  }
0x17: {  	s4 =	simm.s32 $0x1BF5;
	[smem:$0x3FBB] =	sst s0  }
0x18: {  	s0 =	sld [smem:$0x3F9E];
	_ =	swait.ge [sflag:s4], $0x0  }
0x19: {  	s7 =	sld [smem:$0x3F9F]  }
0x1a: {  	s8 =	sadd.s32 $0xFFFFE003, lr  }
0x1b: {  	s9 =	sadd.s32 $0xFFFFFEF7, lr;
	s5 =	simm.s32 $0xFFFFFFFF;
	p2 =	slt.u32 s8, $0xFFFFF086  }
0x1c: {  	p1 =	slt.u32 s9, $0xF7A;
	s5 =	simm.s32 @!p2 $0x0  }
0x1d: {  	s5 =	simm.s32 @p1 $0x1;
	p0 =	seq.s32 s7, s2  }
0x1e: {  	s7 =	smul.u32 @!p0 $0xF7A, s2;
	p2 =	seq.s32 @!p0 s5, $0x0  }
0x1f: {  	s9 =	smul.u32 $0xF7A, s1;
	s8 =	simm.s32 @!p0 $0x1BF5;
	p2 =	por !p2, p0  }
0x20: {  	[sflag:s8] =	ssyncset.s32 @!p0 $0xFFFFF086;
	s6 =	sadd.s32 @!p0 s3, s7;
	s7 =	simm.s32 @!p0 $0x108  }
0x21: {  	s3 =	sadd.s32 s3, s9;
	s6 =	sadd.s32 @!p0 $0x88, s6;
	s7 =	simm.s32 @p2 $0x1082  }
0x22: {  	[simem:s7], [sflag:s8] =	dma.local @!p0 [hbm:s6], $0xF7A  }
0x23: {  	s9 =	sor.u32 $0xD0000000, s2;
	s6 =	simm.s32 $0x108;
	_ =	swait.ge @!p0 [sflag:s8], $0x0  }
0x24: {  	s3 =	sadd.s32 $0x88, s3;
	s6 =	simm.s32 @!p1 $0x1082;
	[sflag:s4] =	ssyncset.s32 $0xFFFFF086  }
0x25: {  	[simem:s6], [sflag:s4] =	dma.local [hbm:s3], $0xF7A  }
0x26: {  	[smem:$0x3F9F] =	sst s1;
	(tag) =	ssettag s2;
	_ =	strace s9  }
0x27: {  	s1 =	sld [smem:$0x3FAF]  }
0x28: {  	s2 =	sld [smem:$0x3FB0]  }
0x29: {  	s4 =	sld [smem:$0x3FB2]  }
0x2a: {  	p0 =	seq.s32 s5, $0x0;
	s5 =	sld [smem:$0x3FB3]  }
0x2b: {  	s6 =	sld [smem:$0x3FB4]  }
0x2c: {  	s7 =	sld [smem:$0x3FB5]  }
0x2d: {  	s3 =	simm.s32 $0x108;
	s8 =	sld [smem:$0x3FB6]  }
0x2e: {  	s3 =	simm.s32 @!p0 $0x1082;
	s9 =	sld [smem:$0x3FB7]  }
0x2f: {  	lr =	sadd.s32 s0, s3;
	s0 =	sld [smem:$0x3FAE]  }
0x30: {  	s3 =	sld [smem:$0x3FB1]  }
0x31: {  	[smem:$0x3FBA] =	sst s10  }
0x32: {  	s10 =	sld [smem:$0x3FB8];
	_ =	sdelay $0x3  }
0x33: {  	p0 =	seq.s32 s10, $0x1;
	s10 =	sld [smem:$0x3FBA];
	_ =	sdelay $0x3  }
0x34: {  	[smem:$0x3FBA] =	sst s10  }
0x35: {  	s10 =	sld [smem:$0x3FB9];
	_ =	sdelay $0x3  }
0x36: {  	p1 =	seq.s32 s10, $0x1;
	s10 =	sld [smem:$0x3FBA];
	_ =	sdelay $0x3  }
0x37: {  	[smem:$0x3FBA] =	sst s10  }
0x38: {  	s10 =	sld [smem:$0x3FBB]  }
0x39: {  	_ = 	snop;
	(pc) =	sbr.ind lr, $3  }
0x3a: {  	_ = 	snop  }
0x3b: {  	_ = 	snop  }
0x3c: {  	p2 =	seq.s32 s10, $0x1;
	s10 =	sld [smem:$0x3FBA]  }
0x3d: {  	_ =	shalt  }
0x3e: {  	_ =	shalt  }
0x3f: {  	_ =	shalt  }
0x40: {  	_ =	shalt  }
0x41: {  	_ =	shalt  }
0x42: {  	_ =	shalt  }
0x43: {  	_ =	shalt  }
0x44: {  	_ =	shalt  }
0x45: {  	_ =	shalt  }
0x46: {  	_ =	shalt  }
0x47: {  	_ =	shalt  }
0x48: {  	_ =	shalt  }
0x49: {  	_ =	shalt  }
0x4a: {  	_ =	shalt  }
0x4b: {  	_ =	shalt  }
0x4c: {  	_ =	shalt  }
0x4d: {  	_ =	shalt  }
0x4e: {  	_ =	shalt  }
0x4f: {  	_ =	shalt  }
0x50: {  	_ =	shalt  }
0x51: {  	_ =	shalt  }
0x52: {  	_ =	shalt  }
0x53: {  	_ =	shalt  }
0x54: {  	_ =	shalt  }
0x55: {  	_ =	shalt  }
0x56: {  	_ =	shalt  }
0x57: {  	_ =	shalt  }
0x58: {  	_ =	shalt  }
0x59: {  	_ =	shalt  }
0x5a: {  	_ =	shalt  }
0x5b: {  	_ =	shalt  }
0x5c: {  	_ =	shalt  }
0x5d: {  	_ =	shalt  }
0x5e: {  	_ =	shalt  }
0x5f: {  	_ =	shalt  }
0x60: {  	_ =	shalt  }
0x61: {  	_ =	shalt  }
0x62: {  	_ =	shalt  }
0x63: {  	_ =	shalt  }
0x64: {  	_ =	shalt  }
0x65: {  	_ =	shalt  }
0x66: {  	_ =	shalt  }
0x67: {  	_ =	shalt  }
0x68: {  	_ =	shalt  }
0x69: {  	_ =	shalt  }
0x6a: {  	_ =	shalt  }
0x6b: {  	_ =	shalt  }
0x6c: {  	_ =	shalt  }
0x6d: {  	_ =	shalt  }
0x6e: {  	_ =	shalt  }
0x6f: {  	_ =	shalt  }
0x70: {  	_ =	shalt  }
0x71: {  	_ =	shalt  }
0x72: {  	_ =	shalt  }
0x73: {  	_ =	shalt  }
0x74: {  	_ =	shalt  }
0x75: {  	_ =	shalt  }
0x76: {  	_ =	shalt  }
0x77: {  	_ =	shalt  }
0x78: {  	_ =	shalt  }
0x79: {  	_ =	shalt  }
0x7a: {  	_ =	shalt  }
0x7b: {  	_ =	shalt  }
0x7c: {  	_ =	shalt  }
0x7d: {  	_ =	shalt  }
0x7e: {  	_ =	shalt  }
0x7f: {  	_ =	shalt  }
0x80: {  	_ =	shalt  }
0x81: {  	_ =	shalt  }
0x82: {  	_ =	shalt  }
0x83: {  	_ =	shalt  }
0x84: {  	_ =	shalt  }
0x85: {  	_ =	shalt  }
0x86: {  	_ =	shalt  }
0x87: {  	_ =	shalt  }
.Lfunc_end0:
.L_simem_size_0:
called_computation_lowered:
.L_overlay_start_0:
0x88: {  	s0 =	sld [smem:$0x3FD9]  }
0x89: {  	s1 =	sld [smem:$0x3FFE];
	_ =	sdelay $0x3  }
0x8a: {  	s0 =	sadd.s32 s1, s0  }
0x8b: {  	[smem:$0x3FC6] =	sst s0  }
0x8c: {  	_ = 	snop  }
0x8d: {  	s0 =	sld [smem:$0x3FC9]  }
0x8e: {  	s16 =	sld [smem:$0x3FC8];
	(tm) =	ssettm $0x1  }
0x8f: {  	s2 =	sld [smem:$0x3FFB];
	_ =	sdelay $0x3  }
0x90: {  	_ =	strace s2  }
0x91: {  	s2 =	sld [smem:$0x3FFC];
	_ =	sdelay $0x3  }
0x92: {  	_ =	strace s2  }
0x93: {  	s2 =	sld [smem:$0x3FFD];
	_ =	sdelay $0x3  }
0x94: {  	_ =	strace s2  }
0x95: {  	_ =	strace $0x8FFFFFFF  }
0x96: {  	s17 =	sld [smem:$0x3FDB];
	_ =	sdelay $0x1  }
0x97: {  	s3 =	simm.s32 $_scs_section_size  }
0x98: {  	s4 =	simm.s32 $_size__tile_overlayer_lowered;
	s5 =	simm.s32 $_tile_overlayer_lowered  }
0x99: {  	s20 =	simm.s32 $0x1BFF;
	s19 =	sshll.u32 s5, $0x1;
	s2 =	sadd.s32 s3, s17  }
0x9a: {  	s6 =	simm.s32 $0x0;
	s18 =	sshll.u32 s4, $0x1;
	s4 =	sadd.s32 s19, s2  }
0x9b: {  	[timem:s6], [sflag:s20] =	dma.local [hbm:s4], s18  }
0x9c: {  	_ =	swait.ge [sflag:s20], s18  }
0x9d: {  	s3 =	ssub.s32 $0x0, s18;
	[sflag:s20] =	ssyncset.done $0x0  }
0x9e: {  	[sflag:s20] =	ssyncadd.s32 s3;
	_ =	sdelay $0x1  }
0x9f: {  	s21 =	simm.s32 $0x1B8B  }
0xa0: {  	_ =	swait.ge [sflag:s21], $0x1  }
0xa1: {  	[sflag:s21] =	ssyncset.done $0x0  }
0xa2: {  	s23 =	simm.s32 $0x1B8E;
	s22 =	sld [smem:$0x3FFE];
	[sflag:s21] =	ssyncadd.s32 $0xFFFFFFFF  }
0xa3: {  	s24 =	simm.s32 $execute0_lowered;
	[smem:$0x3FD2] =	sst s23  }
0xa4: {  	s4 =	sshll.u32 s24, $0x1;
	_ =	strace $0x80000046;
	[dreg:$0x1] =	wrdreg $0xFFFFFFFF  }
0xa5: {  	s25 =	simm.s32 $_size_execute0_lowered;
	s2 =	sadd.s32 s2, s4;
	[dreg:$0x0] =	wrdreg $0x0  }
0xa6: {  	s4 =	sshll.u32 s25, $0x1;
	[dreg:$0x2] =	wrdreg s2  }
0xa7: {  	[dreg:$0x3] =	wrdreg s4  }
0xa8: {  	[dreg:$0x4] =	wrdreg $0xC0  }
0xa9: {  	_ =	task [dreg:s6], $0x5FFFF  }
0xaa: {  	[dreg:$0x1] =	wrdreg $0xFFFFFFFF  }
0xab: {  	[dreg:$0x0] =	wrdreg $0x60  }
0xac: {  	[dreg:$0x2] =	wrdreg s0  }
0xad: {  	[dreg:$0x3] =	wrdreg s16  }
0xae: {  	[dreg:$0x4] =	wrdreg s22  }
0xaf: {  	[dreg:$0x5] =	wrdreg $0x9  }
0xb0: {  	_ =	task.clear_ibuf [dreg:s6], $0x6FFFF;
	_ =	strace $0x90000046  }
0xb1: {  	s26 =	simm.s32 $0x9;
	_ =	strace $0x80000048  }
0xb2: {  	_ =	swait.ge [sflag:s26], $0x1  }
0xb3: {  	[sflag:s26] =	ssyncadd.s32 $0xFFFFFFFF  }
0xb4: {  	_ =	strace $0x90000048  }
0xb5: {  	_ =	sfence  }
0xb6: {  	s28 =	sld [smem:$0x0];
	_ =	sdelay $0x1  }
0xb7: {  	s29 =	srdreg.scid  }
0xb8: {  	s30 =	sshll.u32 s29, $0xD;
	s31 =	sshrl.u32 s29, $0x2  }
0xb9: {  	s1 =	sand.u32 $0x1, s29;
	s2 =	sand.u32 $0x4000, s30;
	s0 =	sadd.s32 s31, s28  }
0xba: {  	s1 =	sor.u32 s2, s1;
	s0 =	sshll.u32 s0, $0x11  }
0xbb: {  	s0 =	sor.u32 s0, s1  }
0xbc: {  	s0 =	sadd.s32 $0x8F2B, s0  }
0xbd: {  	[sflag:s0] =	ssyncadd.remote.s32 $0x1  }
0xbe: {  	_ =	sfence.sel $0xFFFF  }
0xbf: {  	[dreg:$0x0] =	wrdreg $0xFFFFFFFF;
	(pc) =	sbr.abs _section_cstart, $3  }
0xc0: {  	[dreg:$0x1] =	wrdreg $0xFFFFFFFF  }
0xc1: {  	_ =	task.clear_ibuf [dreg:s6], $0x2FFFF;
	_ =	strace $0x9FFFFFFF  }
0xc2: {  	(tm) =	ssettm $0x7FFFFFFF  }
0xc3: {  	_ =	shalt  }
tec
execute0_lowered:
.L_overlay_start_1:
0x0: {  	(tag) =	ssettag $0x1  }
0x1: {  	s3 =	rddreg [dreg:$0x0];
	s0 =	stileid.u32  }
0x2: {  	s4 =	rddreg [dreg:$0x1];
	s5 =	smul.u32 $0x900, s0  }
0x3: {  	s2 =	rddreg [dreg:$0x2];
	s6 =	simm.s32 $0x0  }
0x4: {  	[smem:$0x7FF] =	sst s6;
	s5 =	sshrl.u32 s5, $0x3  }
0x5: {  	s1 =	rddreg [dreg:$0x3];
	_ =	strace $0x80000047;
	s7 =	sadd.s32 s3, s5  }
0x6: {  	[tilespmem:s6], [sflag:$0x1] =	stream.linear.gather [hbm4b:s7+s6], $0x240, $0x38;
	[tilespmem:$0x1280] =	vst v63  }
0x7: {  	s8 =	simm.s32 $0x900;
	s24 =	sadd.s32 s4, s5;
	s5 =	sadd.s32 $0x48, s5  }
0x8: {  	[tilespmem:s8], [sflag:$0x1] =	stream.linear.gather [hbm4b:s24+s6], $0x240, $0x38;
	[tilespmem:$0x1280] =	vst v63  }
0x9: {  	s25 =	simm.s32 $0x240;
	s3 =	sadd.s32 s3, s5  }
0xa: {  	[tilespmem:s25], [sflag:$0x2] =	stream.linear.gather [hbm4b:s3+s6], $0x6C0, $0x38;
	[tilespmem:$0x1280] =	vst v63  }
0xb: {  	s28 =	simm.s32 $0xB40;
	s29 =	simm.s32 $0x1;
	s26 =	sadd.s32 s4, s5  }
0xc: {  	[tilespmem:s28], [sflag:$0x2] =	stream.linear.gather [hbm4b:s26+s6], $0x6C0, $0x38;
	[tilespmem:$0x1280] =	vst v63  }
0xd: {  	_ =	swait.ge [sflag:s29], $0x240  }
0xe: {  	[sflag:s29] =	ssyncset.done $0x0  }
0xf: {  	[sflag:s29] =	ssyncadd.s32 $0xFFFFFDC0  }
0x10: {  	_ =	swait.ge [sflag:s29], $0x240  }
0x11: {  	[sflag:s29] =	ssyncset.done $0x0  }
0x12: {  	s30 =	simm.s32 $0x0;
	[sflag:s29] =	ssyncadd.s32 $0xFFFFFDC0  }
0x13: {  	v0 =	vld [tilespmem:s30+$0x920]  }
0x14: {  	v1 =	vld [tilespmem:s30+$0x30]  }
0x15: {  	v2 =	vld [tilespmem:s30+$0x20]  }
0x16: {  	v3 =	vld [tilespmem:s30+$0x910]  }
0x17: {  	v4 =	vld [tilespmem:s30+$0x900]  }
0x18: {  	v5 =	vld [tilespmem:s30+$0x0]  }
0x19: {  	v6 =	vld [tilespmem:s30+$0x930]  }
0x1a: {  	s31 =	simm.s32 $0x40;
	v7 =	vld [tilespmem:s30+$0x10]  }
0x1b: {  	v9 =	vld [tilespmem:s31+$0x920];
	v0 =	vmul.f32 $1.000000000e+03, v0  }
0x1c: {  	v11 =	vld [tilespmem:s31+$0x20];
	v1 =	vmul.f32 $1.000000000e+03, v1;
	v3 =	vmul.f32 $1.000000000e+03, v3  }
0x1d: {  	v2 =	vmul.f32 $1.000000000e+03, v2;
	v4 =	vmul.f32 $1.000000000e+03, v4  }
0x1e: {  	v5 =	vmul.f32 $1.000000000e+03, v5;
	v6 =	vmul.f32 $1.000000000e+03, v6  }
0x1f: {  	v7 =	vmul.f32 $1.000000000e+03, v7;
	v0 =	vadd.f32 $-1.000000000e+00, v0;
	v3 =	vadd.f32 $-1.000000000e+00, v3  }
0x20: {  	v9 =	vmul.f32 $1.000000000e+03, v9;
	v1 =	vadd.f32 $-1.000000000e+00, v1;
	v4 =	vadd.f32 $-1.000000000e+00, v4  }
0x21: {  	v11 =	vmul.f32 $1.000000000e+03, v11;
	v2 =	vadd.f32 $-1.000000000e+00, v2;
	v5 =	vadd.f32 $-1.000000000e+00, v5  }
0x22: {  	v7 =	vadd.f32 $-1.000000000e+00, v7;
	v3 =	vmax.f32 v3, $0.0e+00;
	v1 =	vmax.f32 v1, $0.0e+00  }
0x23: {  	v4 =	vmax.f32 v4, $0.0e+00;
	v0 =	vmax.f32 v0, $0.0e+00;
	v5 =	vmax.f32 v5, $0.0e+00  }
0x24: {  	v8 =	vld [tilespmem:s31+$0x930];
	v2 =	vmax.f32 v2, $0.0e+00;
	v3 =	vtrunc.f32 v3;
	v1 =	vtrunc.f32 v1  }
0x25: {  	v7 =	vmax.f32 v7, $0.0e+00;
	v0 =	vtrunc.f32 v0;
	v5 =	vtrunc.f32 v5  }
0x26: {  	v2 =	vtrunc.f32 v2;
	v10 =	vcvt.f32.s32 v1;
	v1 =	vadd.f32 $-1.000000000e+00, v6;
	v6 =	vld [tilespmem:s31+$0x30]  }
0x27: {  	v4 =	vtrunc.f32 v4;
	v7 =	vtrunc.f32 v7  }
0x28: {  	v13 =	vld [tilespmem:s31+$0x910];
	v5 =	vcvt.f32.s32 v5;
	v4 =	vcvt.f32.s32 v4  }
0x29: {  	v14 =	vcvt.f32.s32 v0;
	v12 =	vmax.f32 v1, $0.0e+00;
	v1 =	vmul.f32 $1.000000000e+03, v8;
	v8 =	vld [tilespmem:s31+$0x900]  }
0x2a: {  	v2 =	vcvt.f32.s32 v2;
	vm0 =	vne.s32 v5, v4;
	v5 =	vld [tilespmem:s31+$0x0];
	v0 =	vtrunc.f32 v12  }
0x2b: {  	v12 =	vcvt.f32.s32 v0;
	v0 =	vimm.s32 $0x0;
	v15 =	vmul.f32 $1.000000000e+03, v6  }
0x2c: {  	v4 =	vsel vm0, $0x1, v0;
	vm0 =	vne.s32 v2, v14;
	v2 =	vcvt.f32.s32 v7  }
0x2d: {  	v62 =	vld [tilespmem:s31+$0x10];
	v7 =	vcvt.f32.s32 v3;
	vm1 =	vne.s32 v10, v12;
	v10 =	vmul.f32 $1.000000000e+03, v13  }
0x2e: {  	v6 =	vadd.f32 $-1.000000000e+00, v9;
	v3 =	vsel vm0, $0x1, v0;
	v8 =	vmul.f32 $1.000000000e+03, v8  }
0x2f: {  	vm0 =	vne.s32 v2, v7;
	v7 =	vmul.f32 $1.000000000e+03, v5;
	v9 =	vadd.f32 $-1.000000000e+00, v10  }
0x30: {  	v4 =	vadd.s32 v4, v0;
	v10 =	vadd.f32 $-1.000000000e+00, v15;
	v63 =	vadd.f32 $-1.000000000e+00, v8  }
0x31: {  	v5 =	vsel vm1, $0x1, v0;
	v8 =	vadd.f32 $-1.000000000e+00, v11;
	v11 =	vadd.f32 $-1.000000000e+00, v7  }
0x32: {  	v2 =	vmax.f32 v9, $0.0e+00;
	v9 =	vmax.f32 v10, $0.0e+00;
	v10 =	vmul.f32 $1.000000000e+03, v62  }
0x33: {  	s2 =	sadd.s32 $0x600, s2;
	s3 =	simm.s32 $0x200;
	v2 =	vtrunc.f32 v2;
	v7 =	vmax.f32 v63, $0.0e+00;
	v9 =	vtrunc.f32 v9  }
.LBB2_1:
0x34: {  	s4 =	sshra.s32 s3, $0x2;
	p0 =	sne.s32 s3, $0x800;
	s3 =	sadd.s32 $0x100, s3;
	v10 =	vadd.f32 $-1.000000000e+00, v10;
	v8 =	vmax.f32 v8, $0.0e+00;
	v6 =	vmax.f32 v6, $0.0e+00  }
0x35: {  	v9 =	vcvt.f32.s32 v9;
	v12 =	vld [tilespmem:s4+$0x930];
	v11 =	vmax.f32 v11, $0.0e+00;
	v6 =	vtrunc.f32 v6  }
0x36: {  	v1 =	vadd.f32 $-1.000000000e+00, v1;
	v13 =	vld [tilespmem:s4+$0x920];
	v11 =	vtrunc.f32 v11;
	v10 =	vmax.f32 v10, $0.0e+00  }
0x37: {  	v15 =	vsel vm0, $0x1, v0;
	v8 =	vtrunc.f32 v8;
	v14 =	vld [tilespmem:s4+$0x30];
	v11 =	vcvt.f32.s32 v11  }
0x38: {  	v7 =	vtrunc.f32 v7;
	v17 =	vmax.f32 v1, $0.0e+00;
	v1 =	vadd.s32 v15, v4;
	v16 =	vld [tilespmem:s4+$0x20]  }
0x39: {  	v7 =	vcvt.f32.s32 v7;
	v6 =	vcvt.f32.s32 v6;
	v3 =	vadd.s32 v3, v1;
	v4 =	vld [tilespmem:s4+$0x910]  }
0x3a: {  	v3 =	vadd.s32 v5, v3;
	v15 =	vld [tilespmem:s4+$0x900];
	v1 =	vmul.f32 $1.000000000e+03, v12;
	v12 =	vtrunc.f32 v17  }
0x3b: {  	vm0 =	vne.s32 v11, v7;
	v5 =	vld [tilespmem:s4+$0x10];
	v13 =	vmul.f32 $1.000000000e+03, v13;
	v7 =	vcvt.f32.s32 v12  }
0x3c: {  	v8 =	vcvt.f32.s32 v8;
	v10 =	vtrunc.f32 v10;
	v11 =	vld [tilespmem:s4+$0x0]  }
0x3d: {  	v14 =	vmul.f32 $1.000000000e+03, v14;
	v12 =	vmul.f32 $1.000000000e+03, v16;
	vm1 =	vne.s32 v9, v7  }
0x3e: {  	v7 =	vmul.f32 $1.000000000e+03, v4;
	v4 =	vsel vm0, $0x1, v0;
	vm0 =	vne.s32 v8, v6  }
0x3f: {  	v2 =	vcvt.f32.s32 v2;
	v6 =	vadd.f32 $-1.000000000e+00, v13;
	v8 =	vcvt.f32.s32 v10  }
0x40: {  	v9 =	vmul.f32 $1.000000000e+03, v15;
	v4 =	vadd.s32 v4, v3;
	v3 =	vsel vm0, $0x1, v0  }
.Ltmp0:
0x41: {  	v10 =	vadd.f32 $-1.000000000e+00, v14;
	v7 =	vadd.f32 $-1.000000000e+00, v7;
	vm0 =	vne.s32 v8, v2;
	(pc) =	sbr.rel @p0 .LBB2_1-.Ltmp0, $4  }
0x42: {  	v8 =	vadd.f32 $-1.000000000e+00, v12;
	v11 =	vmul.f32 $1.000000000e+03, v11;
	v9 =	vadd.f32 $-1.000000000e+00, v9  }
0x43: {  	v12 =	vmax.f32 v10, $0.0e+00;
	v2 =	vmax.f32 v7, $0.0e+00  }
0x44: {  	v10 =	vmul.f32 $1.000000000e+03, v5;
	v5 =	vsel vm1, $0x1, v0;
	v2 =	vtrunc.f32 v2  }
0x45: {  	v11 =	vadd.f32 $-1.000000000e+00, v11;
	v7 =	vmax.f32 v9, $0.0e+00;
	v9 =	vtrunc.f32 v12  }
0x46: {  	s3 =	simm.s32 $0x2  }
0x47: {  	_ =	swait.ge [sflag:s3], $0x6C0  }
0x48: {  	[sflag:s3] =	ssyncset.done $0x0  }
0x49: {  	v10 =	vadd.f32 $-1.000000000e+00, v10;
	v6 =	vmax.f32 v6, $0.0e+00;
	[sflag:s3] =	ssyncadd.s32 $0xFFFFF940  }
0x4a: {  	v8 =	vmax.f32 v8, $0.0e+00;
	v9 =	vcvt.f32.s32 v9;
	v1 =	vadd.f32 $-1.000000000e+00, v1;
	_ =	swait.ge [sflag:s3], $0x6C0  }
0x4b: {  	v7 =	vtrunc.f32 v7;
	v12 =	vsel vm0, $0x1, v0;
	v2 =	vcvt.f32.s32 v2;
	[sflag:s3] =	ssyncset.done $0x0  }
0x4c: {  	s30 =	simm.s32 $0x0;
	v11 =	vmax.f32 v11, $0.0e+00;
	v6 =	vtrunc.f32 v6;
	v8 =	vtrunc.f32 v8;
	[sflag:s3] =	ssyncadd.s32 $0xFFFFF940  }
0x4d: {  	v7 =	vcvt.f32.s32 v7;
	v4 =	vadd.s32 v12, v4;
	v11 =	vtrunc.f32 v11;
	v13 =	vld [tilespmem:s30+$0xB60]  }
0x4e: {  	v10 =	vmax.f32 v10, $0.0e+00;
	v6 =	vcvt.f32.s32 v6;
	v8 =	vcvt.f32.s32 v8;
	v59 =	vld [tilespmem:s30+$0x270]  }
0x4f: {  	v3 =	vadd.s32 v3, v4;
	v11 =	vcvt.f32.s32 v11;
	v4 =	vtrunc.f32 v10;
	v10 =	vld [tilespmem:s30+$0x260]  }
0x50: {  	v1 =	vmax.f32 v1, $0.0e+00;
	v3 =	vadd.s32 v5, v3;
	v4 =	vcvt.f32.s32 v4;
	v5 =	vld [tilespmem:s30+$0xB50]  }
0x51: {  	v1 =	vtrunc.f32 v1;
	vm1 =	vne.s32 v8, v6;
	vm0 =	vne.s32 v11, v7;
	v6 =	vld [tilespmem:s30+$0xB40]  }
0x52: {  	v1 =	vcvt.f32.s32 v1;
	v7 =	vsel vm0, $0x1, v0;
	vm0 =	vne.s32 v4, v2;
	v2 =	vld [tilespmem:s30+$0x240]  }
0x53: {  	v8 =	vsel vm1, $0x1, v0;
	v4 =	vld [tilespmem:s30+$0xB70]  }
0x54: {  	s31 =	simm.s32 $0x40;
	vm1 =	vne.s32 v9, v1;
	v1 =	vadd.s32 v7, v3;
	v3 =	vsel vm0, $0x1, v0;
	v7 =	vld [tilespmem:s30+$0x250]  }
0x55: {  	v61 =	vld [tilespmem:s31+$0x260];
	v1 =	vadd.s32 v3, v1;
	v3 =	vmul.f32 $1.000000000e+03, v13  }
0x56: {  	v60 =	vld [tilespmem:s31+$0x270];
	v1 =	vadd.s32 v8, v1;
	v8 =	vmul.f32 $1.000000000e+03, v59;
	v5 =	vmul.f32 $1.000000000e+03, v5  }
0x57: {  	v0 =	vsel vm1, $0x1, v0;
	v9 =	vmul.f32 $1.000000000e+03, v10;
	v6 =	vmul.f32 $1.000000000e+03, v6  }
0x58: {  	v15 =	vadd.s32 v0, v1;
	v2 =	vmul.f32 $1.000000000e+03, v2;
	v4 =	vmul.f32 $1.000000000e+03, v4  }
0x59: {  	v7 =	vmul.f32 $1.000000000e+03, v7;
	v3 =	vadd.f32 $-1.000000000e+00, v3;
	v5 =	vadd.f32 $-1.000000000e+00, v5  }
0x5a: {  	v13 =	vmul.f32 $1.000000000e+03, v61;
	v8 =	vadd.f32 $-1.000000000e+00, v8;
	v6 =	vadd.f32 $-1.000000000e+00, v6  }
0x5b: {  	v10 =	vld [tilespmem:s31+$0xB70];
	v12 =	vmul.f32 $1.000000000e+03, v60;
	v9 =	vadd.f32 $-1.000000000e+00, v9;
	v2 =	vadd.f32 $-1.000000000e+00, v2  }
0x5c: {  	v11 =	vld [tilespmem:s31+$0xB60];
	v4 =	vadd.f32 $-1.000000000e+00, v4;
	v5 =	vmax.f32 v5, $0.0e+00;
	v8 =	vmax.f32 v8, $0.0e+00  }
0x5d: {  	v3 =	vmax.f32 v3, $0.0e+00;
	v2 =	vmax.f32 v2, $0.0e+00;
	v5 =	vtrunc.f32 v5  }
0x5e: {  	v9 =	vmax.f32 v9, $0.0e+00;
	v8 =	vtrunc.f32 v8;
	v3 =	vtrunc.f32 v3  }
0x5f: {  	v6 =	vmax.f32 v6, $0.0e+00;
	v2 =	vtrunc.f32 v2;
	v9 =	vtrunc.f32 v9  }
0x60: {  	v4 =	vmax.f32 v4, $0.0e+00;
	v6 =	vtrunc.f32 v6;
	v1 =	vmul.f32 $1.000000000e+03, v10  }
0x61: {  	v14 =	vld [tilespmem:s31+$0xB50];
	v7 =	vadd.f32 $-1.000000000e+00, v7;
	v0 =	vtrunc.f32 v4;
	v10 =	vmul.f32 $1.000000000e+03, v11  }
0x62: {  	v8 =	vcvt.f32.s32 v8;
	v2 =	vcvt.f32.s32 v2  }
0x63: {  	v4 =	vmax.f32 v7, $0.0e+00;
	v7 =	vld [tilespmem:s31+$0xB40];
	v6 =	vcvt.f32.s32 v6;
	v3 =	vcvt.f32.s32 v3  }
0x64: {  	v11 =	vcvt.f32.s32 v0;
	v4 =	vtrunc.f32 v4  }
0x65: {  	v62 =	vld [tilespmem:s31+$0x250];
	v0 =	vimm.s32 $0x0;
	v9 =	vcvt.f32.s32 v9;
	v5 =	vcvt.f32.s32 v5  }
0x66: {  	vm0 =	vne.s32 v2, v6;
	v2 =	vld [tilespmem:s31+$0x240];
	vm1 =	vne.s32 v8, v11;
	v8 =	vmul.f32 $1.000000000e+03, v14  }
0x67: {  	v6 =	vadd.f32 $-1.000000000e+00, v10;
	v11 =	vsel vm0, $0x1, v0;
	vm0 =	vne.s32 v9, v3  }
0x68: {  	v9 =	vcvt.f32.s32 v4;
	v7 =	vmul.f32 $1.000000000e+03, v7;
	v4 =	vadd.s32 v11, v15  }
0x69: {  	v3 =	vsel vm0, $0x1, v0;
	v10 =	vadd.f32 $-1.000000000e+00, v8;
	v11 =	vadd.f32 $-1.000000000e+00, v12  }
0x6a: {  	v8 =	vadd.f32 $-1.000000000e+00, v13;
	vm0 =	vne.s32 v9, v5;
	v9 =	vmul.f32 $1.000000000e+03, v62  }
0x6b: {  	v7 =	vadd.f32 $-1.000000000e+00, v7;
	v63 =	vmul.f32 $1.000000000e+03, v2;
	v2 =	vmax.f32 v10, $0.0e+00  }
0x6c: {  	v5 =	vsel vm1, $0x1, v0;
	v10 =	vmax.f32 v11, $0.0e+00;
	v2 =	vtrunc.f32 v2  }
0x6d: {  	s3 =	simm.s32 $0x200;
	v7 =	vmax.f32 v7, $0.0e+00;
	v10 =	vtrunc.f32 v10;
	v11 =	vadd.f32 $-1.000000000e+00, v63  }
.LBB2_3:
0x6e: {  	s4 =	sshra.s32 s3, $0x2;
	p0 =	sne.s32 s3, $0x1A00;
	s3 =	sadd.s32 $0x100, s3;
	v9 =	vadd.f32 $-1.000000000e+00, v9;
	v8 =	vmax.f32 v8, $0.0e+00;
	v6 =	vmax.f32 v6, $0.0e+00  }
0x6f: {  	v10 =	vcvt.f32.s32 v10;
	v12 =	vld [tilespmem:s4+$0xB70];
	v11 =	vmax.f32 v11, $0.0e+00;
	v6 =	vtrunc.f32 v6  }
0x70: {  	v1 =	vadd.f32 $-1.000000000e+00, v1;
	v13 =	vld [tilespmem:s4+$0xB60];
	v11 =	vtrunc.f32 v11;
	v9 =	vmax.f32 v9, $0.0e+00  }
0x71: {  	v15 =	vsel vm0, $0x1, v0;
	v8 =	vtrunc.f32 v8;
	v14 =	vld [tilespmem:s4+$0x270];
	v11 =	vcvt.f32.s32 v11  }
0x72: {  	v7 =	vtrunc.f32 v7;
	v17 =	vmax.f32 v1, $0.0e+00;
	v1 =	vadd.s32 v15, v4;
	v16 =	vld [tilespmem:s4+$0x260]  }
0x73: {  	v7 =	vcvt.f32.s32 v7;
	v6 =	vcvt.f32.s32 v6;
	v3 =	vadd.s32 v3, v1;
	v4 =	vld [tilespmem:s4+$0xB50]  }
0x74: {  	v3 =	vadd.s32 v5, v3;
	v15 =	vld [tilespmem:s4+$0xB40];
	v1 =	vmul.f32 $1.000000000e+03, v12;
	v12 =	vtrunc.f32 v17  }
0x75: {  	vm0 =	vne.s32 v11, v7;
	v5 =	vld [tilespmem:s4+$0x250];
	v13 =	vmul.f32 $1.000000000e+03, v13;
	v7 =	vcvt.f32.s32 v12  }
0x76: {  	v8 =	vcvt.f32.s32 v8;
	v9 =	vtrunc.f32 v9;
	v11 =	vld [tilespmem:s4+$0x240]  }
0x77: {  	v14 =	vmul.f32 $1.000000000e+03, v14;
	v12 =	vmul.f32 $1.000000000e+03, v16;
	vm1 =	vne.s32 v10, v7  }
0x78: {  	v7 =	vmul.f32 $1.000000000e+03, v4;
	v4 =	vsel vm0, $0x1, v0;
	vm0 =	vne.s32 v8, v6  }
0x79: {  	v2 =	vcvt.f32.s32 v2;
	v6 =	vadd.f32 $-1.000000000e+00, v13;
	v8 =	vcvt.f32.s32 v9  }
0x7a: {  	v9 =	vmul.f32 $1.000000000e+03, v15;
	v4 =	vadd.s32 v4, v3;
	v3 =	vsel vm0, $0x1, v0  }
.Ltmp1:
0x7b: {  	v10 =	vadd.f32 $-1.000000000e+00, v14;
	v7 =	vadd.f32 $-1.000000000e+00, v7;
	vm0 =	vne.s32 v8, v2;
	(pc) =	sbr.rel @p0 .LBB2_3-.Ltmp1, $4  }
0x7c: {  	v8 =	vadd.f32 $-1.000000000e+00, v12;
	v11 =	vmul.f32 $1.000000000e+03, v11;
	v13 =	vadd.f32 $-1.000000000e+00, v9  }
0x7d: {  	v10 =	vmax.f32 v10, $0.0e+00;
	v2 =	vmax.f32 v7, $0.0e+00  }
0x7e: {  	v9 =	vmul.f32 $1.000000000e+03, v5;
	v5 =	vsel vm1, $0x1, v0;
	v2 =	vtrunc.f32 v2  }
0x7f: {  	v10 =	vtrunc.f32 v10;
	v11 =	vadd.f32 $-1.000000000e+00, v11;
	v7 =	vmax.f32 v13, $0.0e+00  }
0x80: {  	v6 =	vmax.f32 v6, $0.0e+00  }
0x81: {  	v9 =	vadd.f32 $-1.000000000e+00, v9;
	v8 =	vmax.f32 v8, $0.0e+00;
	v10 =	vcvt.f32.s32 v10  }
0x82: {  	v1 =	vadd.f32 $-1.000000000e+00, v1;
	v12 =	vsel vm0, $0x1, v0;
	v7 =	vtrunc.f32 v7  }
0x83: {  	v2 =	vcvt.f32.s32 v2;
	v11 =	vmax.f32 v11, $0.0e+00;
	v6 =	vtrunc.f32 v6  }
0x84: {  	v8 =	vtrunc.f32 v8;
	v7 =	vcvt.f32.s32 v7;
	v4 =	vadd.s32 v12, v4  }
0x85: {  	v11 =	vtrunc.f32 v11;
	v9 =	vmax.f32 v9, $0.0e+00;
	v6 =	vcvt.f32.s32 v6  }
0x86: {  	v1 =	vmax.f32 v1, $0.0e+00;
	v11 =	vcvt.f32.s32 v11;
	v9 =	vtrunc.f32 v9  }
0x87: {  	v3 =	vadd.s32 v3, v4;
	v59 =	vcvt.f32.s32 v8;
	v58 =	vcvt.f32.s32 v9  }
0x88: {  	v1 =	vtrunc.f32 v1;
	v3 =	vadd.s32 v5, v3;
	vm13 =	vne.s32 v11, v7  }
0x89: {  	v1 =	vcvt.f32.s32 v1;
	v7 =	vsel vm13, $0x1, v0;
	vm14 =	vne.s32 v58, v2  }
0x8a: {  	vm1 =	vne.s32 v59, v6;
	v60 =	vadd.s32 v7, v3;
	v61 =	vsel vm14, $0x1, v0  }
0x8b: {  	v62 =	vsel vm1, $0x1, v0;
	vm15 =	vne.s32 v10, v1;
	v2 =	vadd.s32 v61, v60  }
0x8c: {  	v63 =	vsel vm15, $0x1, v0;
	v1 =	vadd.s32 v62, v2  }
0x8d: {  	s3 =	sshll.u32 s0, $0x4;
	s30 =	simm.s32 $0x0;
	v0 =	vadd.s32 v63, v1  }
0x8e: {  	s4 =	simm.s32 $0x1200;
	s31 =	simm.s32 $0x3;
	s2 =	sadd.s32 s2, s3;
	[tilespmem:$0x1200] =	vst v0  }
0x8f: {  	[hbm4b:s2+s30] =	stream.linear.scatter [tilespmem:s4], [sflag:$0x3], $0x80, $0x38;
	[tilespmem:$0x1280] =	vst v63  }
0x90: {  	_ =	swait.ge [sflag:s31], $0x80  }
0x91: {  	[sflag:s31] =	ssyncset.done $0x0  }
0x92: {  	[sflag:s31] =	ssyncadd.s32 $0xFFFFFF80  }
0x93: {  	_ =	sfence.sel $0x180000  }
0x94: {  	[bflag:$0x0] =	sbarrier.arrive $0xFFFF  }
0x95: {  	p0 =	sne.s32 s0, $0x0;
	_ =	strace $0x90000047  }
0x96: {  	s0 =	sadd.s32 @!p0 $0x100000, s1;
	[bflag:$0x2] =	sbarrier.arrive $0xFFFF  }
0x97: {  	[sflag:s0] =	ssyncadd.tile.s32 @!p0 $0x1;
	_ =	shalt  }
.Lfunc_end2:
_tile_overlayer_lowered:
.L_overlay_start_2:
0x98: {  	(tag) =	ssettag $0x2  }
0x99: {  	s0 =	rddreg [dreg:$0x0];
	s2 =	stileid.u32  }
0x9a: {  	s1 =	rddreg [dreg:$0x1];
	p0 =	sne.s32 s2, $0x0  }
0x9b: {  	s3 =	rddreg [dreg:$0x2];
	[bflag:$0x3] =	sbarrier.arrive $0xFFFF;
	s2 =	simm.s32 @!p0 $0x1C03  }
0x9c: {  	[timem:s3], [sflag:s2] =	dma.local @!p0 [hbm:s0], s1  }
0x9d: {  	s0 =	simm.s32 @!p0 $0x3  }
0x9e: {  	_ =	swait.ge @!p0 [sflag:s0], s1  }
0x9f: {  	s1 =	ssub.s32 @!p0 $0x0, s1;
	[sflag:s0] =	ssyncset.done @!p0 $0x0  }
0xa0: {  	[sflag:s0] =	ssyncadd.s32 @!p0 s1  }
0xa1: {  	[bflag:$0x3] =	sbarrier.arrive $0xFFFF  }
0xa2: {  	_ =	shalt  }

</sc_bundles>
